<compile_context>
chip_gen: v7x
topology: tpu7x:2x2x1
jax: 0.10.2.dev20260603
libtpu: 0.0.44.dev20260713+nightly
codegen_flags: <defaults>
</compile_context>

<pallas_src>
import jax
import jax.numpy as jnp
from jax import lax
from jax.experimental import pallas as pl
from jax.experimental.pallas import tpu as pltpu
from jax.experimental.pallas import tpu_sc as plsc

_N_NODES = 10000
_D = 256
_B = 160000
_NC = 2
_NS = 16
_DH = _D // _NC
_C = 128
_NCHUNKS = _B // _C
_KMAX = -(-_NCHUNKS // _NS)
_KC = _KMAX * _C
_NBUF = 2


def _gather_body(x_hbm, idx_hbm, out_hbm, x_sh, idx_all, rows, g0, g1, w0, w1):
    cid = lax.axis_index("c")
    sid = lax.axis_index("s")
    cbase = cid * _DH

    rows_per_tile = -(-_N_NODES // _NS) // 8 * 8 + 8
    stage_base = jnp.minimum(sid * rows_per_tile, _N_NODES - rows_per_tile)
    pltpu.sync_copy(
        x_hbm.at[pl.ds(stage_base, rows_per_tile), pl.ds(cbase, _DH)],
        x_sh.at[pl.ds(stage_base, rows_per_tile)],
    )
    plsc.subcore_barrier()

    first_chunk = sid * _KMAX
    load_base = jnp.minimum(first_chunk * _C, _B - _KC)
    pltpu.sync_copy(idx_hbm.at[pl.ds(load_base, _KC)], idx_all)

    gsem = (g0, g1)
    wsem = (w0, w1)

    def valid(k):
        return jnp.logical_and(
            jnp.logical_and(k >= 0, k < _KMAX), first_chunk + k < _NCHUNKS
        )

    def gather_desc(k, b):
        off = (first_chunk + k) * _C - load_base
        return pltpu.make_async_copy(
            x_sh.at[idx_all.at[pl.ds(off, _C)]], rows.at[b], gsem[b]
        )

    def write_desc(k, b):
        base = (first_chunk + k) * _C
        return pltpu.make_async_copy(
            rows.at[b], out_hbm.at[pl.ds(base, _C), pl.ds(cbase, _DH)], wsem[b]
        )

    def start_gather(k, b):
        @pl.when(valid(k))
        def _():
            gather_desc(k, b).start()

    def wait_gather(k, b):
        @pl.when(valid(k))
        def _():
            gather_desc(k, b).wait()

    def start_write(k, b):
        @pl.when(valid(k))
        def _():
            write_desc(k, b).start()

    def wait_write(k, b):
        @pl.when(valid(k))
        def _():
            write_desc(k, b).wait()

    start_gather(0, 0)

    def body(k2, carry):
        for j in range(_NBUF):
            k = k2 * _NBUF + j
            bn = (j + 1) % _NBUF
            wait_write(k - _NBUF + 1, bn)
            start_gather(k + 1, bn)
            wait_gather(k, j)
            start_write(k, j)
        return carry

    lax.fori_loop(0, -(-_KMAX // _NBUF), body, None)


@jax.jit
def _run(x, idx):
    mesh = plsc.VectorSubcoreMesh(core_axis_name="c", subcore_axis_name="s")
    f = pl.kernel(
        _gather_body,
        mesh=mesh,
        out_type=jax.ShapeDtypeStruct((_B, _D), jnp.float32),
        scratch_types=[
            pltpu.VMEM_SHARED((_N_NODES, _DH), jnp.float32),
            pltpu.VMEM((_KC,), jnp.int32),
            pltpu.VMEM((_NBUF, _C, _DH), jnp.float32),
            pltpu.SemaphoreType.DMA,
            pltpu.SemaphoreType.DMA,
            pltpu.SemaphoreType.DMA,
            pltpu.SemaphoreType.DMA,
        ],
    )
    return f(x, idx)


def kernel(x, idx):
    return _run(x, idx)

# --- scband reference (transcript-rebuilt; emitter-appended) ---
"""Pipeline reference for scband-selector-72584947302662 (READ-ONLY COPY).

The authoritative reference and input builder live on the scoring server;
editing this copy changes nothing except your own understanding.
"""

import jax, jax.numpy as jnp
import numpy as np


def setup_inputs(seed: int = 0) -> dict:
    key = jax.random.key(seed)
    k1, k2 = jax.random.split(key)
    n_nodes = 10000
    n_edges = 160000
    d_feat = 256
    x = jax.random.normal(k1, (n_nodes, d_feat), dtype=jnp.float32)
    idx = jax.random.randint(k2, (n_edges,), 0, n_nodes, dtype=jnp.int32)
    return {"x": x, "idx": idx}


def reference(x, idx):
    # EASIER Selector.forward(tensor): row-gather by the constructor-time
    # index tensor `idx`, i.e. out = tensor[idx]. The index tensor is a
    # fixed (non-learned) buffer validated to be in [0, n_nodes).
    return jnp.take(x, idx, axis=0)

if __name__ == "__main__":
    import jax
    _d = setup_inputs()
    print(jax.jit(kernel)(*tuple(_d.values())))

</pallas_src>

<mosaic_0001>
#map = affine_map<(d0, d1) -> (0, 0)>
#map1 = affine_map<(d0, d1) -> (0)>
module attributes {stable_mosaic.version = 14 : i64} {
  func.func @_gather_body(%arg0: i32, %arg1: i32, %arg2: memref<10000x256xf32, #tpu.memory_space<hbm>>, %arg3: memref<160000xi32, #tpu.memory_space<hbm>>, %arg4: memref<160000x256xf32, #tpu.memory_space<hbm>>, %arg5: memref<10000x128xf32, #tpu.memory_space<vmem_shared>>, %arg6: memref<10112xi32, #tpu.memory_space<vmem>>, %arg7: memref<2x128x128xf32, #tpu.memory_space<vmem>>, %arg8: memref<!tpu.dma_semaphore, #tpu.memory_space<semaphore_mem>>, %arg9: memref<!tpu.dma_semaphore, #tpu.memory_space<semaphore_mem>>, %arg10: memref<!tpu.dma_semaphore, #tpu.memory_space<semaphore_mem>>, %arg11: memref<!tpu.dma_semaphore, #tpu.memory_space<semaphore_mem>>) attributes {dimension_semantics = [#tpu.dimension_semantics<core_parallel>, #tpu.dimension_semantics<subcore_parallel>], iteration_bounds = array<i64: 2, 16>, scalar_prefetch = 0 : i64, scratch_operands = 7 : i64, tpu.core_type = #tpu.core_type<sc_vector_subcore>, window_params = [{transform_indices = #map}, {transform_indices = #map1}, {transform_indices = #map}]} {
    %mul3A = arith.constant 128 : i32
    %mul3A_0 = arith.muli %arg0, %mul3A : i32
    %mul3A_1 = arith.constant 632 : i32
    %mul3A_2 = arith.muli %arg1, %mul3A_1 : i32
    %min3A = arith.constant 9368 : i32
    %min3A_3 = arith.minsi %mul3A_2, %min3A : i32
    "tpu.region"() ({
      %run_scoped3A = tpu.sem_alloc : memref<!tpu.dma_semaphore, #tpu.memory_space<semaphore_mem>>
      %dma_start3A = arith.constant 0 : i32
      %dma_start3A_20 = tpu.memref_slice %arg5[%min3A_3, %dma_start3A] : memref<10000x128xf32, #tpu.memory_space<vmem_shared>> -> memref<632x128xf32, #tpu.memory_space<vmem_shared>>
      %dma_start3A_21 = tpu.memref_slice %arg2[%min3A_3, %mul3A_0] : memref<10000x256xf32, #tpu.memory_space<hbm>> -> memref<632x128xf32, #tpu.memory_space<hbm>>
      tpu.enqueue_dma source(%dma_start3A_21 : memref<632x128xf32, #tpu.memory_space<hbm>>) target(%dma_start3A_20 : memref<632x128xf32, #tpu.memory_space<vmem_shared>>) target_semaphore(%run_scoped3A : memref<!tpu.dma_semaphore, #tpu.memory_space<semaphore_mem>>)
      %dma_wait3A = arith.constant 0 : i32
      %dma_wait3A_22 = tpu.memref_slice %arg5[%min3A_3, %dma_wait3A] : memref<10000x128xf32, #tpu.memory_space<vmem_shared>> -> memref<632x128xf32, #tpu.memory_space<vmem_shared>>
      %dma_wait3A_23 = tpu.memref_slice %arg2[%min3A_3, %mul3A_0] : memref<10000x256xf32, #tpu.memory_space<hbm>> -> memref<632x128xf32, #tpu.memory_space<hbm>>
      tpu.wait_dma2 semaphore(%run_scoped3A : memref<!tpu.dma_semaphore, #tpu.memory_space<semaphore_mem>>) src(%dma_wait3A_23 : memref<632x128xf32, #tpu.memory_space<hbm>>) dst(%dma_wait3A_22 : memref<632x128xf32, #tpu.memory_space<vmem_shared>>)
      tpu.yield
    }) : () -> ()
    %barrier3A = arith.constant 0 : index
    tpu.barrier barrier_id(%barrier3A)
    %mul3A_4 = arith.constant 79 : i32
    %mul3A_5 = arith.muli %arg1, %mul3A_4 : i32
    %mul3A_6 = arith.constant 128 : i32
    %mul3A_7 = arith.muli %mul3A_5, %mul3A_6 : i32
    %min3A_8 = arith.constant 149888 : i32
    %min3A_9 = arith.minsi %mul3A_7, %min3A_8 : i32
    "tpu.region"() ({
      %run_scoped3A = tpu.sem_alloc : memref<!tpu.dma_semaphore, #tpu.memory_space<semaphore_mem>>
      %dma_start3A = tpu.memref_slice %arg3[%min3A_9] : memref<160000xi32, #tpu.memory_space<hbm>> -> memref<10112xi32, #tpu.memory_space<hbm>>
      %dma_start3A_20 = tpu.memref_slice %arg3[%min3A_9] : memref<160000xi32, #tpu.memory_space<hbm>> -> memref<10112xi32, #tpu.memory_space<hbm>>
      tpu.enqueue_dma source(%dma_start3A_20 : memref<10112xi32, #tpu.memory_space<hbm>>) target(%arg6 : memref<10112xi32, #tpu.memory_space<vmem>>) target_semaphore(%run_scoped3A : memref<!tpu.dma_semaphore, #tpu.memory_space<semaphore_mem>>)
      %dma_wait3A = tpu.memref_slice %arg3[%min3A_9] : memref<160000xi32, #tpu.memory_space<hbm>> -> memref<10112xi32, #tpu.memory_space<hbm>>
      %dma_wait3A_21 = tpu.memref_slice %arg3[%min3A_9] : memref<160000xi32, #tpu.memory_space<hbm>> -> memref<10112xi32, #tpu.memory_space<hbm>>
      tpu.wait_dma2 semaphore(%run_scoped3A : memref<!tpu.dma_semaphore, #tpu.memory_space<semaphore_mem>>) src(%dma_wait3A_21 : memref<10112xi32, #tpu.memory_space<hbm>>) dst(%arg6 : memref<10112xi32, #tpu.memory_space<vmem>>)
      tpu.yield
    }) : () -> ()
    %and3A = arith.constant true
    %and3A_10 = arith.constant true
    %and3A_11 = arith.andi %and3A, %and3A_10 : i1
    %add3A = arith.constant 0 : i32
    %add3A_12 = arith.addi %mul3A_5, %add3A : i32
    %lt3A = arith.constant 1250 : i32
    %lt3A_13 = arith.cmpi slt, %add3A_12, %lt3A : i32
    %and3A_14 = arith.andi %and3A_11, %lt3A_13 : i1
    %convert_element_type3A = arith.extui %and3A_14 : i1 to i32
    %cond3A = arith.constant 0 : i32
    %cond3A_15 = arith.cmpi ne, %convert_element_type3A, %cond3A : i32
    scf.if %cond3A_15 {
      %add3A_20 = arith.constant 0 : i32
      %add3A_21 = arith.addi %mul3A_5, %add3A_20 : i32
      %mul3A_22 = arith.constant 128 : i32
      %mul3A_23 = arith.muli %add3A_21, %mul3A_22 : i32
      %sub3A = arith.subi %mul3A_23, %min3A_9 : i32
      %dma_start3A = arith.constant 0 : i32
      %dma_start3A_24 = arith.constant 0 : i32
      %dma_start3A_25 = arith.constant 0 : i32
      %dma_start3A_26 = tpu.memref_slice %arg7[%dma_start3A, %dma_start3A_24, %dma_start3A_25] : memref<2x128x128xf32, #tpu.memory_space<vmem>> -> memref<1x128x128xf32, #tpu.memory_space<vmem>>
      %dma_start3A_27 = tpu.memref_squeeze %dma_start3A_26 : memref<1x128x128xf32, #tpu.memory_space<vmem>> -> memref<128x128xf32, #tpu.memory_space<vmem>>
      %dma_start3A_28 = tpu.memref_slice %arg6[%sub3A] : memref<10112xi32, #tpu.memory_space<vmem>> -> memref<128xi32, #tpu.memory_space<vmem>>
      %dma_start3A_29 = arith.constant 0 : i32
      %dma_start3A_30 = arith.constant 0 : i32
      %dma_start3A_31 = tpu.memref_slice %arg5[%dma_start3A_29, %dma_start3A_30] : memref<10000x128xf32, #tpu.memory_space<vmem_shared>> -> memref<10000x128xf32, #tpu.memory_space<vmem_shared>>
      tpu.enqueue_indirect_dma source(%dma_start3A_31 : memref<10000x128xf32, #tpu.memory_space<vmem_shared>>) target(%dma_start3A_27 : memref<128x128xf32, #tpu.memory_space<vmem>>) offsets(%dma_start3A_28 : memref<128xi32, #tpu.memory_space<vmem>>) semaphore(%arg8 : memref<!tpu.dma_semaphore, #tpu.memory_space<semaphore_mem>>)
    } else {
    }
    %scan3A = arith.constant 0 : i32
    %scan3A_16 = arith.constant 40 : i32
    %scan3A_17 = arith.addi %scan3A, %scan3A_16 : i32
    %scan3A_18 = arith.constant 1 : i32
    scf.for %scan3A_20 = %scan3A to %scan3A_17 step %scan3A_18  : i32 {
      %mul3A_21 = arith.constant 2 : i32
      %mul3A_22 = arith.muli %scan3A_20, %mul3A_21 : i32
      %add3A_23 = arith.constant 0 : i32
      %add3A_24 = arith.addi %mul3A_22, %add3A_23 : i32
      %sub3A = arith.constant 2 : i32
      %sub3A_25 = arith.subi %add3A_24, %sub3A : i32
      %add3A_26 = arith.constant 1 : i32
      %add3A_27 = arith.addi %sub3A_25, %add3A_26 : i32
      %ge3A = arith.constant 0 : i32
      %ge3A_28 = arith.cmpi sge, %add3A_27, %ge3A : i32
      %lt3A_29 = arith.constant 79 : i32
      %lt3A_30 = arith.cmpi slt, %add3A_27, %lt3A_29 : i32
      %and3A_31 = arith.andi %ge3A_28, %lt3A_30 : i1
      %add3A_32 = arith.addi %mul3A_5, %add3A_27 : i32
      %lt3A_33 = arith.constant 1250 : i32
      %lt3A_34 = arith.cmpi slt, %add3A_32, %lt3A_33 : i32
      %and3A_35 = arith.andi %and3A_31, %lt3A_34 : i1
      %convert_element_type3A_36 = arith.extui %and3A_35 : i1 to i32
      %cond3A_37 = arith.constant 0 : i32
      %cond3A_38 = arith.cmpi ne, %convert_element_type3A_36, %cond3A_37 : i32
      scf.if %cond3A_38 {
        %add3A_135 = arith.addi %mul3A_5, %add3A_27 : i32
        %mul3A_136 = arith.constant 128 : i32
        %mul3A_137 = arith.muli %add3A_135, %mul3A_136 : i32
        %dma_wait3A = arith.constant 1 : i32
        %dma_wait3A_138 = arith.constant 0 : i32
        %dma_wait3A_139 = arith.constant 0 : i32
        %dma_wait3A_140 = tpu.memref_slice %arg7[%dma_wait3A, %dma_wait3A_138, %dma_wait3A_139] : memref<2x128x128xf32, #tpu.memory_space<vmem>> -> memref<1x128x128xf32, #tpu.memory_space<vmem>>
        %dma_wait3A_141 = tpu.memref_squeeze %dma_wait3A_140 : memref<1x128x128xf32, #tpu.memory_space<vmem>> -> memref<128x128xf32, #tpu.memory_space<vmem>>
        %dma_wait3A_142 = tpu.memref_slice %arg4[%mul3A_137, %mul3A_0] : memref<160000x256xf32, #tpu.memory_space<hbm>> -> memref<128x128xf32, #tpu.memory_space<hbm>>
        %dma_wait3A_143 = tpu.memref_slice %arg4[%mul3A_137, %mul3A_0] : memref<160000x256xf32, #tpu.memory_space<hbm>> -> memref<128x128xf32, #tpu.memory_space<hbm>>
        %dma_wait3A_144 = arith.constant 0 : i32
        %dma_wait3A_145 = arith.constant 0 : i32
        %dma_wait3A_146 = tpu.memref_slice %arg7[%dma_wait3A, %dma_wait3A_144, %dma_wait3A_145] : memref<2x128x128xf32, #tpu.memory_space<vmem>> -> memref<1x128x128xf32, #tpu.memory_space<vmem>>
        %dma_wait3A_147 = tpu.memref_squeeze %dma_wait3A_146 : memref<1x128x128xf32, #tpu.memory_space<vmem>> -> memref<128x128xf32, #tpu.memory_space<vmem>>
        tpu.wait_dma2 semaphore(%arg11 : memref<!tpu.dma_semaphore, #tpu.memory_space<semaphore_mem>>) src(%dma_wait3A_147 : memref<128x128xf32, #tpu.memory_space<vmem>>) dst(%dma_wait3A_143 : memref<128x128xf32, #tpu.memory_space<hbm>>)
      } else {
      }
      %add3A_39 = arith.constant 1 : i32
      %add3A_40 = arith.addi %add3A_24, %add3A_39 : i32
      %ge3A_41 = arith.constant 0 : i32
      %ge3A_42 = arith.cmpi sge, %add3A_40, %ge3A_41 : i32
      %lt3A_43 = arith.constant 79 : i32
      %lt3A_44 = arith.cmpi slt, %add3A_40, %lt3A_43 : i32
      %and3A_45 = arith.andi %ge3A_42, %lt3A_44 : i1
      %add3A_46 = arith.addi %mul3A_5, %add3A_40 : i32
      %lt3A_47 = arith.constant 1250 : i32
      %lt3A_48 = arith.cmpi slt, %add3A_46, %lt3A_47 : i32
      %and3A_49 = arith.andi %and3A_45, %lt3A_48 : i1
      %convert_element_type3A_50 = arith.extui %and3A_49 : i1 to i32
      %cond3A_51 = arith.constant 0 : i32
      %cond3A_52 = arith.cmpi ne, %convert_element_type3A_50, %cond3A_51 : i32
      scf.if %cond3A_52 {
        %add3A_135 = arith.addi %mul3A_5, %add3A_40 : i32
        %mul3A_136 = arith.constant 128 : i32
        %mul3A_137 = arith.muli %add3A_135, %mul3A_136 : i32
        %sub3A_138 = arith.subi %mul3A_137, %min3A_9 : i32
        %dma_start3A = arith.constant 1 : i32
        %dma_start3A_139 = arith.constant 0 : i32
        %dma_start3A_140 = arith.constant 0 : i32
        %dma_start3A_141 = tpu.memref_slice %arg7[%dma_start3A, %dma_start3A_139, %dma_start3A_140] : memref<2x128x128xf32, #tpu.memory_space<vmem>> -> memref<1x128x128xf32, #tpu.memory_space<vmem>>
        %dma_start3A_142 = tpu.memref_squeeze %dma_start3A_141 : memref<1x128x128xf32, #tpu.memory_space<vmem>> -> memref<128x128xf32, #tpu.memory_space<vmem>>
        %dma_start3A_143 = tpu.memref_slice %arg6[%sub3A_138] : memref<10112xi32, #tpu.memory_space<vmem>> -> memref<128xi32, #tpu.memory_space<vmem>>
        %dma_start3A_144 = arith.constant 0 : i32
        %dma_start3A_145 = arith.constant 0 : i32
        %dma_start3A_146 = tpu.memref_slice %arg5[%dma_start3A_144, %dma_start3A_145] : memref<10000x128xf32, #tpu.memory_space<vmem_shared>> -> memref<10000x128xf32, #tpu.memory_space<vmem_shared>>
        tpu.enqueue_indirect_dma source(%dma_start3A_146 : memref<10000x128xf32, #tpu.memory_space<vmem_shared>>) target(%dma_start3A_142 : memref<128x128xf32, #tpu.memory_space<vmem>>) offsets(%dma_start3A_143 : memref<128xi32, #tpu.memory_space<vmem>>) semaphore(%arg9 : memref<!tpu.dma_semaphore, #tpu.memory_space<semaphore_mem>>)
      } else {
      }
      %ge3A_53 = arith.constant 0 : i32
      %ge3A_54 = arith.cmpi sge, %add3A_24, %ge3A_53 : i32
      %lt3A_55 = arith.constant 79 : i32
      %lt3A_56 = arith.cmpi slt, %add3A_24, %lt3A_55 : i32
      %and3A_57 = arith.andi %ge3A_54, %lt3A_56 : i1
      %add3A_58 = arith.addi %mul3A_5, %add3A_24 : i32
      %lt3A_59 = arith.constant 1250 : i32
      %lt3A_60 = arith.cmpi slt, %add3A_58, %lt3A_59 : i32
      %and3A_61 = arith.andi %and3A_57, %lt3A_60 : i1
      %convert_element_type3A_62 = arith.extui %and3A_61 : i1 to i32
      %cond3A_63 = arith.constant 0 : i32
      %cond3A_64 = arith.cmpi ne, %convert_element_type3A_62, %cond3A_63 : i32
      scf.if %cond3A_64 {
        %add3A_135 = arith.addi %mul3A_5, %add3A_24 : i32
        %mul3A_136 = arith.constant 128 : i32
        %mul3A_137 = arith.muli %add3A_135, %mul3A_136 : i32
        %sub3A_138 = arith.subi %mul3A_137, %min3A_9 : i32
        %dma_wait3A = arith.constant 0 : i32
        %dma_wait3A_139 = arith.constant 0 : i32
        %dma_wait3A_140 = arith.constant 0 : i32
        %dma_wait3A_141 = tpu.memref_slice %arg7[%dma_wait3A, %dma_wait3A_139, %dma_wait3A_140] : memref<2x128x128xf32, #tpu.memory_space<vmem>> -> memref<1x128x128xf32, #tpu.memory_space<vmem>>
        %dma_wait3A_142 = tpu.memref_squeeze %dma_wait3A_141 : memref<1x128x128xf32, #tpu.memory_space<vmem>> -> memref<128x128xf32, #tpu.memory_space<vmem>>
        %dma_wait3A_143 = tpu.memref_slice %arg6[%sub3A_138] : memref<10112xi32, #tpu.memory_space<vmem>> -> memref<128xi32, #tpu.memory_space<vmem>>
        %dma_wait3A_144 = arith.constant 0 : i32
        %dma_wait3A_145 = arith.constant 0 : i32
        %dma_wait3A_146 = tpu.memref_slice %arg5[%dma_wait3A_144, %dma_wait3A_145] : memref<10000x128xf32, #tpu.memory_space<vmem_shared>> -> memref<10000x128xf32, #tpu.memory_space<vmem_shared>>
        tpu.wait_indirect_dma semaphore(%arg8 : memref<!tpu.dma_semaphore, #tpu.memory_space<semaphore_mem>>) src(%dma_wait3A_146 : memref<10000x128xf32, #tpu.memory_space<vmem_shared>>) dst(%dma_wait3A_142 : memref<128x128xf32, #tpu.memory_space<vmem>>)
      } else {
      }
      %ge3A_65 = arith.constant 0 : i32
      %ge3A_66 = arith.cmpi sge, %add3A_24, %ge3A_65 : i32
      %lt3A_67 = arith.constant 79 : i32
      %lt3A_68 = arith.cmpi slt, %add3A_24, %lt3A_67 : i32
      %and3A_69 = arith.andi %ge3A_66, %lt3A_68 : i1
      %add3A_70 = arith.addi %mul3A_5, %add3A_24 : i32
      %lt3A_71 = arith.constant 1250 : i32
      %lt3A_72 = arith.cmpi slt, %add3A_70, %lt3A_71 : i32
      %and3A_73 = arith.andi %and3A_69, %lt3A_72 : i1
      %convert_element_type3A_74 = arith.extui %and3A_73 : i1 to i32
      %cond3A_75 = arith.constant 0 : i32
      %cond3A_76 = arith.cmpi ne, %convert_element_type3A_74, %cond3A_75 : i32
      scf.if %cond3A_76 {
        %add3A_135 = arith.addi %mul3A_5, %add3A_24 : i32
        %mul3A_136 = arith.constant 128 : i32
        %mul3A_137 = arith.muli %add3A_135, %mul3A_136 : i32
        %dma_start3A = arith.constant 0 : i32
        %dma_start3A_138 = arith.constant 0 : i32
        %dma_start3A_139 = arith.constant 0 : i32
        %dma_start3A_140 = tpu.memref_slice %arg7[%dma_start3A, %dma_start3A_138, %dma_start3A_139] : memref<2x128x128xf32, #tpu.memory_space<vmem>> -> memref<1x128x128xf32, #tpu.memory_space<vmem>>
        %dma_start3A_141 = tpu.memref_squeeze %dma_start3A_140 : memref<1x128x128xf32, #tpu.memory_space<vmem>> -> memref<128x128xf32, #tpu.memory_space<vmem>>
        %dma_start3A_142 = tpu.memref_slice %arg4[%mul3A_137, %mul3A_0] : memref<160000x256xf32, #tpu.memory_space<hbm>> -> memref<128x128xf32, #tpu.memory_space<hbm>>
        %dma_start3A_143 = tpu.memref_slice %arg4[%mul3A_137, %mul3A_0] : memref<160000x256xf32, #tpu.memory_space<hbm>> -> memref<128x128xf32, #tpu.memory_space<hbm>>
        %dma_start3A_144 = arith.constant 0 : i32
        %dma_start3A_145 = arith.constant 0 : i32
        %dma_start3A_146 = tpu.memref_slice %arg7[%dma_start3A, %dma_start3A_144, %dma_start3A_145] : memref<2x128x128xf32, #tpu.memory_space<vmem>> -> memref<1x128x128xf32, #tpu.memory_space<vmem>>
        %dma_start3A_147 = tpu.memref_squeeze %dma_start3A_146 : memref<1x128x128xf32, #tpu.memory_space<vmem>> -> memref<128x128xf32, #tpu.memory_space<vmem>>
        tpu.enqueue_dma source(%dma_start3A_147 : memref<128x128xf32, #tpu.memory_space<vmem>>) target(%dma_start3A_143 : memref<128x128xf32, #tpu.memory_space<hbm>>) target_semaphore(%arg10 : memref<!tpu.dma_semaphore, #tpu.memory_space<semaphore_mem>>)
      } else {
      }
      %mul3A_77 = arith.constant 2 : i32
      %mul3A_78 = arith.muli %scan3A_20, %mul3A_77 : i32
      %add3A_79 = arith.constant 1 : i32
      %add3A_80 = arith.addi %mul3A_78, %add3A_79 : i32
      %sub3A_81 = arith.constant 2 : i32
      %sub3A_82 = arith.subi %add3A_80, %sub3A_81 : i32
      %add3A_83 = arith.constant 1 : i32
      %add3A_84 = arith.addi %sub3A_82, %add3A_83 : i32
      %ge3A_85 = arith.constant 0 : i32
      %ge3A_86 = arith.cmpi sge, %add3A_84, %ge3A_85 : i32
      %lt3A_87 = arith.constant 79 : i32
      %lt3A_88 = arith.cmpi slt, %add3A_84, %lt3A_87 : i32
      %and3A_89 = arith.andi %ge3A_86, %lt3A_88 : i1
      %add3A_90 = arith.addi %mul3A_5, %add3A_84 : i32
      %lt3A_91 = arith.constant 1250 : i32
      %lt3A_92 = arith.cmpi slt, %add3A_90, %lt3A_91 : i32
      %and3A_93 = arith.andi %and3A_89, %lt3A_92 : i1
      %convert_element_type3A_94 = arith.extui %and3A_93 : i1 to i32
      %cond3A_95 = arith.constant 0 : i32
      %cond3A_96 = arith.cmpi ne, %convert_element_type3A_94, %cond3A_95 : i32
      scf.if %cond3A_96 {
        %add3A_135 = arith.addi %mul3A_5, %add3A_84 : i32
        %mul3A_136 = arith.constant 128 : i32
        %mul3A_137 = arith.muli %add3A_135, %mul3A_136 : i32
        %dma_wait3A = arith.constant 0 : i32
        %dma_wait3A_138 = arith.constant 0 : i32
        %dma_wait3A_139 = arith.constant 0 : i32
        %dma_wait3A_140 = tpu.memref_slice %arg7[%dma_wait3A, %dma_wait3A_138, %dma_wait3A_139] : memref<2x128x128xf32, #tpu.memory_space<vmem>> -> memref<1x128x128xf32, #tpu.memory_space<vmem>>
        %dma_wait3A_141 = tpu.memref_squeeze %dma_wait3A_140 : memref<1x128x128xf32, #tpu.memory_space<vmem>> -> memref<128x128xf32, #tpu.memory_space<vmem>>
        %dma_wait3A_142 = tpu.memref_slice %arg4[%mul3A_137, %mul3A_0] : memref<160000x256xf32, #tpu.memory_space<hbm>> -> memref<128x128xf32, #tpu.memory_space<hbm>>
        %dma_wait3A_143 = tpu.memref_slice %arg4[%mul3A_137, %mul3A_0] : memref<160000x256xf32, #tpu.memory_space<hbm>> -> memref<128x128xf32, #tpu.memory_space<hbm>>
        %dma_wait3A_144 = arith.constant 0 : i32
        %dma_wait3A_145 = arith.constant 0 : i32
        %dma_wait3A_146 = tpu.memref_slice %arg7[%dma_wait3A, %dma_wait3A_144, %dma_wait3A_145] : memref<2x128x128xf32, #tpu.memory_space<vmem>> -> memref<1x128x128xf32, #tpu.memory_space<vmem>>
        %dma_wait3A_147 = tpu.memref_squeeze %dma_wait3A_146 : memref<1x128x128xf32, #tpu.memory_space<vmem>> -> memref<128x128xf32, #tpu.memory_space<vmem>>
        tpu.wait_dma2 semaphore(%arg10 : memref<!tpu.dma_semaphore, #tpu.memory_space<semaphore_mem>>) src(%dma_wait3A_147 : memref<128x128xf32, #tpu.memory_space<vmem>>) dst(%dma_wait3A_143 : memref<128x128xf32, #tpu.memory_space<hbm>>)
      } else {
      }
      %add3A_97 = arith.constant 1 : i32
      %add3A_98 = arith.addi %add3A_80, %add3A_97 : i32
      %ge3A_99 = arith.constant 0 : i32
      %ge3A_100 = arith.cmpi sge, %add3A_98, %ge3A_99 : i32
      %lt3A_101 = arith.constant 79 : i32
      %lt3A_102 = arith.cmpi slt, %add3A_98, %lt3A_101 : i32
      %and3A_103 = arith.andi %ge3A_100, %lt3A_102 : i1
      %add3A_104 = arith.addi %mul3A_5, %add3A_98 : i32
      %lt3A_105 = arith.constant 1250 : i32
      %lt3A_106 = arith.cmpi slt, %add3A_104, %lt3A_105 : i32
      %and3A_107 = arith.andi %and3A_103, %lt3A_106 : i1
      %convert_element_type3A_108 = arith.extui %and3A_107 : i1 to i32
      %cond3A_109 = arith.constant 0 : i32
      %cond3A_110 = arith.cmpi ne, %convert_element_type3A_108, %cond3A_109 : i32
      scf.if %cond3A_110 {
        %add3A_135 = arith.addi %mul3A_5, %add3A_98 : i32
        %mul3A_136 = arith.constant 128 : i32
        %mul3A_137 = arith.muli %add3A_135, %mul3A_136 : i32
        %sub3A_138 = arith.subi %mul3A_137, %min3A_9 : i32
        %dma_start3A = arith.constant 0 : i32
        %dma_start3A_139 = arith.constant 0 : i32
        %dma_start3A_140 = arith.constant 0 : i32
        %dma_start3A_141 = tpu.memref_slice %arg7[%dma_start3A, %dma_start3A_139, %dma_start3A_140] : memref<2x128x128xf32, #tpu.memory_space<vmem>> -> memref<1x128x128xf32, #tpu.memory_space<vmem>>
        %dma_start3A_142 = tpu.memref_squeeze %dma_start3A_141 : memref<1x128x128xf32, #tpu.memory_space<vmem>> -> memref<128x128xf32, #tpu.memory_space<vmem>>
        %dma_start3A_143 = tpu.memref_slice %arg6[%sub3A_138] : memref<10112xi32, #tpu.memory_space<vmem>> -> memref<128xi32, #tpu.memory_space<vmem>>
        %dma_start3A_144 = arith.constant 0 : i32
        %dma_start3A_145 = arith.constant 0 : i32
        %dma_start3A_146 = tpu.memref_slice %arg5[%dma_start3A_144, %dma_start3A_145] : memref<10000x128xf32, #tpu.memory_space<vmem_shared>> -> memref<10000x128xf32, #tpu.memory_space<vmem_shared>>
        tpu.enqueue_indirect_dma source(%dma_start3A_146 : memref<10000x128xf32, #tpu.memory_space<vmem_shared>>) target(%dma_start3A_142 : memref<128x128xf32, #tpu.memory_space<vmem>>) offsets(%dma_start3A_143 : memref<128xi32, #tpu.memory_space<vmem>>) semaphore(%arg8 : memref<!tpu.dma_semaphore, #tpu.memory_space<semaphore_mem>>)
      } else {
      }
      %ge3A_111 = arith.constant 0 : i32
      %ge3A_112 = arith.cmpi sge, %add3A_80, %ge3A_111 : i32
      %lt3A_113 = arith.constant 79 : i32
      %lt3A_114 = arith.cmpi slt, %add3A_80, %lt3A_113 : i32
      %and3A_115 = arith.andi %ge3A_112, %lt3A_114 : i1
      %add3A_116 = arith.addi %mul3A_5, %add3A_80 : i32
      %lt3A_117 = arith.constant 1250 : i32
      %lt3A_118 = arith.cmpi slt, %add3A_116, %lt3A_117 : i32
      %and3A_119 = arith.andi %and3A_115, %lt3A_118 : i1
      %convert_element_type3A_120 = arith.extui %and3A_119 : i1 to i32
      %cond3A_121 = arith.constant 0 : i32
      %cond3A_122 = arith.cmpi ne, %convert_element_type3A_120, %cond3A_121 : i32
      scf.if %cond3A_122 {
        %add3A_135 = arith.addi %mul3A_5, %add3A_80 : i32
        %mul3A_136 = arith.constant 128 : i32
        %mul3A_137 = arith.muli %add3A_135, %mul3A_136 : i32
        %sub3A_138 = arith.subi %mul3A_137, %min3A_9 : i32
        %dma_wait3A = arith.constant 1 : i32
        %dma_wait3A_139 = arith.constant 0 : i32
        %dma_wait3A_140 = arith.constant 0 : i32
        %dma_wait3A_141 = tpu.memref_slice %arg7[%dma_wait3A, %dma_wait3A_139, %dma_wait3A_140] : memref<2x128x128xf32, #tpu.memory_space<vmem>> -> memref<1x128x128xf32, #tpu.memory_space<vmem>>
        %dma_wait3A_142 = tpu.memref_squeeze %dma_wait3A_141 : memref<1x128x128xf32, #tpu.memory_space<vmem>> -> memref<128x128xf32, #tpu.memory_space<vmem>>
        %dma_wait3A_143 = tpu.memref_slice %arg6[%sub3A_138] : memref<10112xi32, #tpu.memory_space<vmem>> -> memref<128xi32, #tpu.memory_space<vmem>>
        %dma_wait3A_144 = arith.constant 0 : i32
        %dma_wait3A_145 = arith.constant 0 : i32
        %dma_wait3A_146 = tpu.memref_slice %arg5[%dma_wait3A_144, %dma_wait3A_145] : memref<10000x128xf32, #tpu.memory_space<vmem_shared>> -> memref<10000x128xf32, #tpu.memory_space<vmem_shared>>
        tpu.wait_indirect_dma semaphore(%arg9 : memref<!tpu.dma_semaphore, #tpu.memory_space<semaphore_mem>>) src(%dma_wait3A_146 : memref<10000x128xf32, #tpu.memory_space<vmem_shared>>) dst(%dma_wait3A_142 : memref<128x128xf32, #tpu.memory_space<vmem>>)
      } else {
      }
      %ge3A_123 = arith.constant 0 : i32
      %ge3A_124 = arith.cmpi sge, %add3A_80, %ge3A_123 : i32
      %lt3A_125 = arith.constant 79 : i32
      %lt3A_126 = arith.cmpi slt, %add3A_80, %lt3A_125 : i32
      %and3A_127 = arith.andi %ge3A_124, %lt3A_126 : i1
      %add3A_128 = arith.addi %mul3A_5, %add3A_80 : i32
      %lt3A_129 = arith.constant 1250 : i32
      %lt3A_130 = arith.cmpi slt, %add3A_128, %lt3A_129 : i32
      %and3A_131 = arith.andi %and3A_127, %lt3A_130 : i1
      %convert_element_type3A_132 = arith.extui %and3A_131 : i1 to i32
      %cond3A_133 = arith.constant 0 : i32
      %cond3A_134 = arith.cmpi ne, %convert_element_type3A_132, %cond3A_133 : i32
      scf.if %cond3A_134 {
        %add3A_135 = arith.addi %mul3A_5, %add3A_80 : i32
        %mul3A_136 = arith.constant 128 : i32
        %mul3A_137 = arith.muli %add3A_135, %mul3A_136 : i32
        %dma_start3A = arith.constant 1 : i32
        %dma_start3A_138 = arith.constant 0 : i32
        %dma_start3A_139 = arith.constant 0 : i32
        %dma_start3A_140 = tpu.memref_slice %arg7[%dma_start3A, %dma_start3A_138, %dma_start3A_139] : memref<2x128x128xf32, #tpu.memory_space<vmem>> -> memref<1x128x128xf32, #tpu.memory_space<vmem>>
        %dma_start3A_141 = tpu.memref_squeeze %dma_start3A_140 : memref<1x128x128xf32, #tpu.memory_space<vmem>> -> memref<128x128xf32, #tpu.memory_space<vmem>>
        %dma_start3A_142 = tpu.memref_slice %arg4[%mul3A_137, %mul3A_0] : memref<160000x256xf32, #tpu.memory_space<hbm>> -> memref<128x128xf32, #tpu.memory_space<hbm>>
        %dma_start3A_143 = tpu.memref_slice %arg4[%mul3A_137, %mul3A_0] : memref<160000x256xf32, #tpu.memory_space<hbm>> -> memref<128x128xf32, #tpu.memory_space<hbm>>
        %dma_start3A_144 = arith.constant 0 : i32
        %dma_start3A_145 = arith.constant 0 : i32
        %dma_start3A_146 = tpu.memref_slice %arg7[%dma_start3A, %dma_start3A_144, %dma_start3A_145] : memref<2x128x128xf32, #tpu.memory_space<vmem>> -> memref<1x128x128xf32, #tpu.memory_space<vmem>>
        %dma_start3A_147 = tpu.memref_squeeze %dma_start3A_146 : memref<1x128x128xf32, #tpu.memory_space<vmem>> -> memref<128x128xf32, #tpu.memory_space<vmem>>
        tpu.enqueue_dma source(%dma_start3A_147 : memref<128x128xf32, #tpu.memory_space<vmem>>) target(%dma_start3A_143 : memref<128x128xf32, #tpu.memory_space<hbm>>) target_semaphore(%arg11 : memref<!tpu.dma_semaphore, #tpu.memory_space<semaphore_mem>>)
      } else {
      }
    }
    %scan3A_19 = arith.constant 40 : i32
    return
  }
}

</mosaic_0001>

<sc_bundles>
// kernel: _run.3.cloned.1.call-start
scs
__scs_entry_jumppad:
0x0: {  	(pc) =	sbr.rel $0x88, $3  }
0x1: {  	(tag) =	ssettag $0x0;
	lr =	simm.s32 $0x1  }
0x2: {  	[smem:$0x3F9F] =	sst lr;
	_ =	strace $0xD0000000  }
0x3: {  	_ = 	snop  }
0x4: {  	_ = 	snop  }
0x5: {  	_ = 	snop  }
0x6: {  	_ = 	snop  }
0x7: {  	_ = 	snop  }
__scs_overlays_trampoline_lowered:
0x8: {  	[smem:$0x3FAE] =	sst s0  }
0x9: {  	[smem:$0x3FAF] =	sst s1  }
0xa: {  	[smem:$0x3FB0] =	sst s2  }
0xb: {  	[smem:$0x3FB1] =	sst s3  }
0xc: {  	[smem:$0x3FB2] =	sst s4  }
0xd: {  	[smem:$0x3FB3] =	sst s5  }
0xe: {  	[smem:$0x3FB4] =	sst s6  }
0xf: {  	[smem:$0x3FB5] =	sst s7  }
0x10: {  	[smem:$0x3FB6] =	sst s8  }
0x11: {  	[smem:$0x3FB7] =	sst s9;
	s0 =	simm.s32 @!p0 $0x0  }
0x12: {  	s1 =	sld [smem:$0x3F9D];
	s0 =	simm.s32 @p0 $0x1  }
0x13: {  	[smem:$0x3FB8] =	sst s0;
	s0 =	simm.s32 @!p1 $0x0  }
0x14: {  	s2 =	sld [smem:$0x3F9C];
	s0 =	simm.s32 @p1 $0x1  }
0x15: {  	[smem:$0x3FB9] =	sst s0;
	s0 =	simm.s32 @!p2 $0x0  }
0x16: {  	s3 =	sld [smem:$0x3FDB];
	s0 =	simm.s32 @p2 $0x1  }
0x17: {  	s4 =	simm.s32 $0x1BF5;
	[smem:$0x3FBB] =	sst s0  }
0x18: {  	s0 =	sld [smem:$0x3F9E];
	_ =	swait.ge [sflag:s4], $0x0  }
0x19: {  	s7 =	sld [smem:$0x3F9F]  }
0x1a: {  	s8 =	sadd.s32 $0xFFFFE003, lr  }
0x1b: {  	s9 =	sadd.s32 $0xFFFFFEF7, lr;
	s5 =	simm.s32 $0xFFFFFFFF;
	p2 =	slt.u32 s8, $0xFFFFF086  }
0x1c: {  	p1 =	slt.u32 s9, $0xF7A;
	s5 =	simm.s32 @!p2 $0x0  }
0x1d: {  	s5 =	simm.s32 @p1 $0x1;
	p0 =	seq.s32 s7, s2  }
0x1e: {  	s7 =	smul.u32 @!p0 $0xF7A, s2;
	p2 =	seq.s32 @!p0 s5, $0x0  }
0x1f: {  	s9 =	smul.u32 $0xF7A, s1;
	s8 =	simm.s32 @!p0 $0x1BF5;
	p2 =	por !p2, p0  }
0x20: {  	[sflag:s8] =	ssyncset.s32 @!p0 $0xFFFFF086;
	s6 =	sadd.s32 @!p0 s3, s7;
	s7 =	simm.s32 @!p0 $0x108  }
0x21: {  	s3 =	sadd.s32 s3, s9;
	s6 =	sadd.s32 @!p0 $0x88, s6;
	s7 =	simm.s32 @p2 $0x1082  }
0x22: {  	[simem:s7], [sflag:s8] =	dma.local @!p0 [hbm:s6], $0xF7A  }
0x23: {  	s9 =	sor.u32 $0xD0000000, s2;
	s6 =	simm.s32 $0x108;
	_ =	swait.ge @!p0 [sflag:s8], $0x0  }
0x24: {  	s3 =	sadd.s32 $0x88, s3;
	s6 =	simm.s32 @!p1 $0x1082;
	[sflag:s4] =	ssyncset.s32 $0xFFFFF086  }
0x25: {  	[simem:s6], [sflag:s4] =	dma.local [hbm:s3], $0xF7A  }
0x26: {  	[smem:$0x3F9F] =	sst s1;
	(tag) =	ssettag s2;
	_ =	strace s9  }
0x27: {  	s1 =	sld [smem:$0x3FAF]  }
0x28: {  	s2 =	sld [smem:$0x3FB0]  }
0x29: {  	s4 =	sld [smem:$0x3FB2]  }
0x2a: {  	p0 =	seq.s32 s5, $0x0;
	s5 =	sld [smem:$0x3FB3]  }
0x2b: {  	s6 =	sld [smem:$0x3FB4]  }
0x2c: {  	s7 =	sld [smem:$0x3FB5]  }
0x2d: {  	s3 =	simm.s32 $0x108;
	s8 =	sld [smem:$0x3FB6]  }
0x2e: {  	s3 =	simm.s32 @!p0 $0x1082;
	s9 =	sld [smem:$0x3FB7]  }
0x2f: {  	lr =	sadd.s32 s0, s3;
	s0 =	sld [smem:$0x3FAE]  }
0x30: {  	s3 =	sld [smem:$0x3FB1]  }
0x31: {  	[smem:$0x3FBA] =	sst s10  }
0x32: {  	s10 =	sld [smem:$0x3FB8];
	_ =	sdelay $0x3  }
0x33: {  	p0 =	seq.s32 s10, $0x1;
	s10 =	sld [smem:$0x3FBA];
	_ =	sdelay $0x3  }
0x34: {  	[smem:$0x3FBA] =	sst s10  }
0x35: {  	s10 =	sld [smem:$0x3FB9];
	_ =	sdelay $0x3  }
0x36: {  	p1 =	seq.s32 s10, $0x1;
	s10 =	sld [smem:$0x3FBA];
	_ =	sdelay $0x3  }
0x37: {  	[smem:$0x3FBA] =	sst s10  }
0x38: {  	s10 =	sld [smem:$0x3FBB]  }
0x39: {  	_ = 	snop;
	(pc) =	sbr.ind lr, $3  }
0x3a: {  	_ = 	snop  }
0x3b: {  	_ = 	snop  }
0x3c: {  	p2 =	seq.s32 s10, $0x1;
	s10 =	sld [smem:$0x3FBA]  }
0x3d: {  	_ =	shalt  }
0x3e: {  	_ =	shalt  }
0x3f: {  	_ =	shalt  }
0x40: {  	_ =	shalt  }
0x41: {  	_ =	shalt  }
0x42: {  	_ =	shalt  }
0x43: {  	_ =	shalt  }
0x44: {  	_ =	shalt  }
0x45: {  	_ =	shalt  }
0x46: {  	_ =	shalt  }
0x47: {  	_ =	shalt  }
0x48: {  	_ =	shalt  }
0x49: {  	_ =	shalt  }
0x4a: {  	_ =	shalt  }
0x4b: {  	_ =	shalt  }
0x4c: {  	_ =	shalt  }
0x4d: {  	_ =	shalt  }
0x4e: {  	_ =	shalt  }
0x4f: {  	_ =	shalt  }
0x50: {  	_ =	shalt  }
0x51: {  	_ =	shalt  }
0x52: {  	_ =	shalt  }
0x53: {  	_ =	shalt  }
0x54: {  	_ =	shalt  }
0x55: {  	_ =	shalt  }
0x56: {  	_ =	shalt  }
0x57: {  	_ =	shalt  }
0x58: {  	_ =	shalt  }
0x59: {  	_ =	shalt  }
0x5a: {  	_ =	shalt  }
0x5b: {  	_ =	shalt  }
0x5c: {  	_ =	shalt  }
0x5d: {  	_ =	shalt  }
0x5e: {  	_ =	shalt  }
0x5f: {  	_ =	shalt  }
0x60: {  	_ =	shalt  }
0x61: {  	_ =	shalt  }
0x62: {  	_ =	shalt  }
0x63: {  	_ =	shalt  }
0x64: {  	_ =	shalt  }
0x65: {  	_ =	shalt  }
0x66: {  	_ =	shalt  }
0x67: {  	_ =	shalt  }
0x68: {  	_ =	shalt  }
0x69: {  	_ =	shalt  }
0x6a: {  	_ =	shalt  }
0x6b: {  	_ =	shalt  }
0x6c: {  	_ =	shalt  }
0x6d: {  	_ =	shalt  }
0x6e: {  	_ =	shalt  }
0x6f: {  	_ =	shalt  }
0x70: {  	_ =	shalt  }
0x71: {  	_ =	shalt  }
0x72: {  	_ =	shalt  }
0x73: {  	_ =	shalt  }
0x74: {  	_ =	shalt  }
0x75: {  	_ =	shalt  }
0x76: {  	_ =	shalt  }
0x77: {  	_ =	shalt  }
0x78: {  	_ =	shalt  }
0x79: {  	_ =	shalt  }
0x7a: {  	_ =	shalt  }
0x7b: {  	_ =	shalt  }
0x7c: {  	_ =	shalt  }
0x7d: {  	_ =	shalt  }
0x7e: {  	_ =	shalt  }
0x7f: {  	_ =	shalt  }
0x80: {  	_ =	shalt  }
0x81: {  	_ =	shalt  }
0x82: {  	_ =	shalt  }
0x83: {  	_ =	shalt  }
0x84: {  	_ =	shalt  }
0x85: {  	_ =	shalt  }
0x86: {  	_ =	shalt  }
0x87: {  	_ =	shalt  }
.Lfunc_end0:
.L_simem_size_0:
called_computation_lowered:
.L_overlay_start_0:
0x88: {  	s2 =	sld [smem:$0x3FD9]  }
0x89: {  	s3 =	sld [smem:$0x3FFE];
	_ =	sdelay $0x1  }
0x8a: {  	s1 =	srdreg.scid  }
0x8b: {  	s0 =	sand.u32 $0x1, s1  }
0x8c: {  	s18 =	sshll.u32 s0, $0xA;
	s2 =	sadd.s32 s3, s2  }
0x8d: {  	s2 =	sadd.s32 s2, s18  }
0x8e: {  	[smem:$0x3FC6] =	sst s2  }
0x8f: {  	_ = 	snop  }
0x90: {  	s2 =	sld [smem:$0x3FC9]  }
0x91: {  	s19 =	sld [smem:$0x3FC8]  }
0x92: {  	s4 =	sld [smem:$0x3FD0];
	(tm) =	ssettm $0x1  }
0x93: {  	s5 =	sld [smem:$0x3FFB];
	_ =	sdelay $0x3  }
0x94: {  	_ =	strace s5  }
0x95: {  	s5 =	sld [smem:$0x3FFC];
	_ =	sdelay $0x3  }
0x96: {  	_ =	strace s5  }
0x97: {  	s5 =	sld [smem:$0x3FFD];
	_ =	sdelay $0x3  }
0x98: {  	_ =	strace s5  }
0x99: {  	_ =	strace $0x8FFFFFFF  }
0x9a: {  	s20 =	sld [smem:$0x3FDB];
	_ =	sdelay $0x1  }
0x9b: {  	s6 =	simm.s32 $_scs_section_size  }
0x9c: {  	s7 =	simm.s32 $_size__tile_overlayer_lowered;
	s8 =	simm.s32 $_tile_overlayer_lowered  }
0x9d: {  	s23 =	simm.s32 $0x1BFF;
	s22 =	sshll.u32 s8, $0x1;
	s5 =	sadd.s32 s6, s20  }
0x9e: {  	s9 =	simm.s32 $0x0;
	s21 =	sshll.u32 s7, $0x1;
	s7 =	sadd.s32 s22, s5  }
0x9f: {  	[timem:s9], [sflag:s23] =	dma.local [hbm:s7], s21  }
0xa0: {  	_ =	swait.ge [sflag:s23], s21  }
0xa1: {  	s6 =	ssub.s32 $0x0, s21;
	[sflag:s23] =	ssyncset.done $0x0  }
0xa2: {  	[sflag:s23] =	ssyncadd.s32 s6;
	_ =	sdelay $0x1  }
0xa3: {  	s24 =	simm.s32 $0x1B8B  }
0xa4: {  	_ =	swait.ge [sflag:s24], $0x1  }
0xa5: {  	[sflag:s24] =	ssyncset.done $0x0  }
0xa6: {  	s25 =	simm.s32 $0x1B8E;
	[sflag:s24] =	ssyncadd.s32 $0xFFFFFFFF  }
0xa7: {  	s26 =	simm.s32 $execute0_lowered;
	[smem:$0x3FD2] =	sst s25  }
0xa8: {  	s6 =	sshll.u32 s26, $0x1;
	_ =	strace $0x80000046;
	[dreg:$0x1] =	wrdreg $0xFFFFFFFF  }
0xa9: {  	s28 =	simm.s32 $_size_execute0_lowered;
	s5 =	sadd.s32 s5, s6;
	[dreg:$0x0] =	wrdreg $0x0  }
0xaa: {  	s6 =	sshll.u32 s28, $0x1;
	[dreg:$0x2] =	wrdreg s5  }
0xab: {  	[dreg:$0x3] =	wrdreg s6  }
0xac: {  	[dreg:$0x4] =	wrdreg $0xC0  }
0xad: {  	_ =	task [dreg:s9], $0x5FFFF  }
0xae: {  	[dreg:$0x1] =	wrdreg $0xFFFFFFFF  }
0xaf: {  	[dreg:$0x0] =	wrdreg $0x60  }
0xb0: {  	[dreg:$0x2] =	wrdreg s2  }
0xb1: {  	[dreg:$0x3] =	wrdreg s19  }
0xb2: {  	[dreg:$0x4] =	wrdreg s4  }
0xb3: {  	[dreg:$0x5] =	wrdreg $0x0  }
0xb4: {  	[dreg:$0x6] =	wrdreg $0x9  }
0xb5: {  	_ =	task.clear_ibuf [dreg:s9], $0x7FFFF;
	_ =	strace $0x90000046  }
0xb6: {  	s29 =	simm.s32 $0x9;
	_ =	strace $0x80000048  }
0xb7: {  	_ =	swait.ge [sflag:s29], $0x1  }
0xb8: {  	[sflag:s29] =	ssyncadd.s32 $0xFFFFFFFF  }
0xb9: {  	_ =	strace $0x90000048  }
0xba: {  	_ =	sfence  }
0xbb: {  	s30 =	sld [smem:$0x0];
	_ =	sdelay $0x2  }
0xbc: {  	s31 =	sshll.u32 s1, $0xD;
	s1 =	sshrl.u32 s1, $0x2  }
0xbd: {  	s3 =	sand.u32 $0x4000, s31;
	s1 =	sadd.s32 s1, s30  }
0xbe: {  	s0 =	sor.u32 s3, s0;
	s1 =	sshll.u32 s1, $0x11  }
0xbf: {  	s0 =	sor.u32 s1, s0  }
0xc0: {  	s0 =	sadd.s32 $0x8F2B, s0  }
0xc1: {  	[sflag:s0] =	ssyncadd.remote.s32 $0x1  }
0xc2: {  	_ =	sfence.sel $0xFFFF  }
0xc3: {  	[dreg:$0x0] =	wrdreg $0xFFFFFFFF;
	(pc) =	sbr.abs _section_cstart, $3  }
0xc4: {  	[dreg:$0x1] =	wrdreg $0xFFFFFFFF  }
0xc5: {  	_ =	task.clear_ibuf [dreg:s9], $0x2FFFF;
	_ =	strace $0x9FFFFFFF  }
0xc6: {  	(tm) =	ssettm $0x7FFFFFFF  }
0xc7: {  	_ =	shalt  }
tec
execute0_lowered:
.L_overlay_start_1:
0x0: {  	(tag) =	ssettag $0x1  }
0x1: {  	s0 =	rddreg [dreg:$0x0]  }
0x2: {  	s7 =	rddreg [dreg:$0x1]  }
0x3: {  	s14 =	rddreg [dreg:$0x2]  }
0x4: {  	s2 =	rddreg [dreg:$0x3];
	s1 =	stileid.u32  }
0x5: {  	s3 =	simm.s32 $0x0;
	s4 =	srdreg.scid;
	s17 =	simm.s32 $0x80  }
0x6: {  	s19 =	simm.s32 $0x5;
	s20 =	simm.s32 $0x13880;
	s5 =	smul.u32 $0x278, s1  }
0x7: {  	s21 =	simm.s32 $0x16000;
	s22 =	simm.s32 $0x0;
	s10 =	smul.u32 $0x2780, s1  }
0x8: {  	[smem:$0x7FF] =	sst s3;
	s4 =	sand.u32 $0x1, s4;
	s13 =	smul.u32 $0x278000, s1  }
0x9: {  	s24 =	sshll.u32 s1, $0x6;
	s29 =	smul.u32 $0x9E00, s1;
	p0 =	seq.s32 s1, $0xF  }
0xa: {  	_ =	strace $0x80000047;
	s6 =	ssub.s32 $0x2, s4;
	s9 =	sshll.u32 s4, $0xA  }
0xb: {  	s5 =	smin.u32 s5, $0x2498;
	s8 =	sshrl.u32 s6, $0x1;
	s12 =	smin.u32 s10, $0x24980  }
0xc: {  	s28 =	sor.u32 s9, s13;
	s23 =	sshll.u32 s5, $0x8;
	s5 =	sshll.u32 s5, $0x7  }
0xd: {  	s11 =	ssub.s32 s6, s8;
	s25 =	sshrl.u32 s12, $0x3;
	s6 =	smul.u32 $0x4F, s1  }
0xe: {  	s26 =	ssub.s32 s10, s12;
	s16 =	sadd.s32 $0x270000, s28;
	s12 =	sshll.u32 s12, $0x2  }
0xf: {  	s31 =	sadd.s32 $0x8000, s28;
	s4 =	sor.u32 s9, s23;
	s15 =	sadd.s32 s5, s2  }
0x10: {  	s5 =	sor.u32 $0x1C05, s24;
	s7 =	sadd.s32 s7, s25;
	s8 =	sadd.s32 $0x13880, s26  }
0x11: {  	s10 =	smax.u32 s11, $0x1;
	s30 =	sshrl.u32 s16, $0x3;
	s12 =	ssub.s32 s29, s12  }
0x12: {  	s13 =	sshrl.u32 s31, $0x3;
	s4 =	sshrl.u32 s4, $0x3;
	s9 =	ssub.s32 $0x4E2, s6  }
0x13: {  	s11 =	sadd.s32 s14, s30;
	s12 =	sadd.s32 $0x400, s12;
	s13 =	sadd.s32 s13, s14  }
0x14: {  	s4 =	sadd.s32 s0, s4;
	s12 =	sshra.s32 s12, $0x2;
	s0 =	sshrl.u32 s28, $0x3  }
0x15: {  	s15 =	sshrl.u32 s15, $0x3;
	s12 =	sadd.s32 $0x13880, s12;
	s14 =	sadd.s32 s0, s14  }
.LBB2_1:
0x16: {  	s0 =	simm.s32 $0x8;
	s1 =	simm.s32 $0x100  }
0x17: {  	[spmem:s15@s17], [sflag:s5] =	dma.strided [hbm:s4@s1], $0x2780, s0, $0x10   }
0x18: {  	_ =	swait.ge [sflag:s19], $0x2780  }
0x19: {  	[sflag:s19] =	ssyncset.done $0x0  }
0x1a: {  	[sflag:s19] =	ssyncadd.s32 $0xFFFFD880  }
0x1b: {  	s23 =	simm.s32 $0x0;
	p1 =	por $0x1, $0x1;
	[bflag:$0x0] =	sbarrier.arrive $0xFFFF  }
0x1c: {  	[tilespmem:s20], [sflag:$0x5] =	stream.linear.gather [hbm4b:s7+s23], $0x2780, $0x38;
	[tilespmem:$0x1E000] =	vst v63  }
0x1d: {  	p2 =	slt.u32 @!p1 s9, $0x0;
	_ =	swait.ge [sflag:s19], $0x2780  }
0x1e: {  	p2 =	por p2, p1;
	s23 =	sadd.s32 $0x0, s6;
	[sflag:s19] =	ssyncset.done $0x0  }
0x1f: {  	s0 =	simm.s32 @!p2 $0x4;
	s24 =	sadd.s32 $0x1, s23;
	[sflag:s19] =	ssyncadd.s32 $0xFFFFD880  }
0x20: {  	[tilespmem:s21], [sflag:$0x1] =	stream.indirect.gather [spmem:s2], $0x80, s8, s17, $0xb8;
	[tilespmem:$0x1E000] =	vst v63  }
0x21: {  	p1 =	sgt.u32 s24, $0x4E1;
	_ =	swait.ge @!p2 [sflag:s0], $0x4000  }
0x22: {  	s24 =	simm.s32 @!p1 $0x80;
	s25 =	simm.s32 @!p1 $0x1A000;
	[sflag:s0] =	ssyncset.done @!p2 $0x0  }
0x23: {  	[sflag:s0] =	ssyncadd.s32 @!p2 $0xFFFFC000;
	s0 =	sadd.s32 @!p1 $0xFFFFFF80, s12;
	p2 =	sgt.u32 s23, $0x4E1  }
0x24: {  	[tilespmem:s25], [sflag:$0x2] =	stream.indirect.gather @!p1 [spmem:s2], $0x80, s0, s24, $0xb8;
	[tilespmem:$0x1E000] =	vst v63  }
0x25: {  	s30 =	simm.s32 $0x2;
	s0 =	simm.s32 @!p2 $0x1  }
0x26: {  	s31 =	smov.u32 s13;
	s29 =	simm.s32 @!p1 $0x2;
	_ =	swait.ge @!p2 [sflag:s0], $0x4000  }
0x27: {  	s24 =	simm.s32 @!p2 $0x16000;
	s26 =	simm.s32 @!p2 $0x3;
	[sflag:s0] =	ssyncset.done @!p2 $0x0  }
0x28: {  	s28 =	simm.s32 @!p2 $0x800;
	[sflag:s0] =	ssyncadd.s32 @!p2 $0xFFFFC000;
	s0 =	simm.s32 @!p2 $0x400  }
0x29: {  	[hbm4b:s14+s0] =	stream.strided.scatter @!p2 [tilespmem:s24], [sflag:$0x3], $0x4000, s28, s0, $0x38;
	[tilespmem:$0x1E000] =	vst v63  }
0x2a: {  	s24 =	sadd.s32 $0x2, s23;
	s28 =	simm.s32 $0x4;
	_ =	swait.ge @!p2 [sflag:s26], $0x4000  }
0x2b: {  	p3 =	sgt.u32 s24, $0x4E1;
	s24 =	sadd.s32 $0x2000, s14;
	[sflag:s26] =	ssyncset.done @!p2 $0x0  }
0x2c: {  	s0 =	simm.s32 @!p3 $0x80;
	s23 =	simm.s32 @!p3 $0x16000;
	[sflag:s26] =	ssyncadd.s32 @!p2 $0xFFFFC000  }
0x2d: {  	[tilespmem:s23], [sflag:$0x1] =	stream.indirect.gather @!p3 [spmem:s2], $0x80, s12, s0, $0xb8;
	[tilespmem:$0x1E000] =	vst v63  }
0x2e: {  	s26 =	smov.u32 s12;
	s23 =	sadd.s32 $0x2000, s13;
	s0 =	simm.s32 $0x1  }
.LBB2_2:
0x2f: {  	p2 =	sgt.u32 s0, $0x4E  }
0x30: {  	s26 =	sadd.s32 $0x100, s26;
	s0 =	smov.u32 s28;
	s28 =	sadd.s32 $0x2, s28  }
0x31: {  	s1 =	simm.s32 @!p1 $0x800;
	p3 =	sgt.u32 @!p2 s30, s9;
	_ =	swait.ge @!p1 [sflag:s29], $0x4000  }
0x32: {  	s3 =	simm.s32 @!p1 $0x400;
	p3 =	por p3, p2;
	[sflag:s29] =	ssyncset.done @!p1 $0x0  }
0x33: {  	s30 =	sadd.s32 s30, s6;
	s16 =	simm.s32 @!p3 $0x4;
	[sflag:s29] =	ssyncadd.s32 @!p1 $0xFFFFC000  }
0x34: {  	[hbm4b:s31+s3] =	stream.strided.scatter @!p1 [tilespmem:s25], [sflag:$0x4], $0x4000, s1, s3, $0x38;
	[tilespmem:$0x1E000] =	vst v63  }
0x35: {  	s1 =	sadd.s32 $0x1, s30;
	s3 =	sadd.s32 $0x2, s30;
	_ =	swait.ge @!p3 [sflag:s16], $0x4000  }
0x36: {  	p2 =	sne.s32 s28, $0x4E;
	p1 =	sgt.u32 s1, $0x4E1;
	[sflag:s16] =	ssyncset.done @!p3 $0x0  }
0x37: {  	s1 =	sadd.s32 @!p1 $0xFFFFFF80, s26;
	[sflag:s16] =	ssyncadd.s32 @!p3 $0xFFFFC000;
	s16 =	simm.s32 @!p1 $0x80  }
0x38: {  	s25 =	simm.s32 @!p1 $0x1A000;
	s29 =	simm.s32 @!p1 $0x2;
	p3 =	sgt.u32 s30, $0x4E1  }
0x39: {  	[tilespmem:s25], [sflag:$0x2] =	stream.indirect.gather @!p1 [spmem:s2], $0x80, s1, s16, $0xb8;
	[tilespmem:$0x1E000] =	vst v63  }
0x3a: {  	s31 =	smov.u32 s23;
	s30 =	smov.u32 s0;
	s1 =	simm.s32 @!p3 $0x1  }
0x3b: {  	_ =	swait.ge @!p3 [sflag:s1], $0x4000  }
0x3c: {  	s0 =	simm.s32 @!p3 $0x16000;
	s16 =	simm.s32 @!p3 $0x3;
	[sflag:s1] =	ssyncset.done @!p3 $0x0  }
0x3d: {  	s18 =	simm.s32 @!p3 $0x800;
	[sflag:s1] =	ssyncadd.s32 @!p3 $0xFFFFC000;
	s1 =	simm.s32 @!p3 $0x400  }
0x3e: {  	[hbm4b:s24+s1] =	stream.strided.scatter @!p3 [tilespmem:s0], [sflag:$0x3], $0x4000, s18, s1, $0x38;
	[tilespmem:$0x1E000] =	vst v63  }
.Ltmp0:
0x3f: {  	_ = 	snop;
	(pc) =	sbr.rel @p2 .LBB2_2-.Ltmp0, $4  }
0x40: {  	s23 =	sadd.s32 $0x2000, s23;
	s24 =	sadd.s32 $0x2000, s24;
	_ =	swait.ge @!p3 [sflag:s16], $0x4000  }
0x41: {  	p4 =	sgt.u32 s3, $0x4E1;
	s0 =	sadd.s32 $0xFFFFFFFF, s30;
	[sflag:s16] =	ssyncset.done @!p3 $0x0  }
0x42: {  	s3 =	simm.s32 @!p4 $0x16000;
	s1 =	simm.s32 @!p4 $0x80;
	[sflag:s16] =	ssyncadd.s32 @!p3 $0xFFFFC000  }
0x43: {  	[tilespmem:s3], [sflag:$0x1] =	stream.indirect.gather @!p4 [spmem:s2], $0x80, s26, s1, $0xb8;
	[tilespmem:$0x1E000] =	vst v63  }
0x44: {  	p2 =	sgt.u32 s0, $0x4E;
	_ =	swait.ge @!p1 [sflag:s29], $0x4000  }
0x45: {  	s0 =	simm.s32 @!p1 $0x800;
	s1 =	simm.s32 @!p1 $0x400;
	p3 =	sgt.u32 @!p2 s30, s9  }
0x46: {  	s16 =	sadd.s32 s30, s6;
	[sflag:s29] =	ssyncset.done @!p1 $0x0;
	p2 =	por p3, p2  }
0x47: {  	s30 =	sadd.s32 $0x1, s16;
	[sflag:s29] =	ssyncadd.s32 @!p1 $0xFFFFC000;
	s3 =	simm.s32 @!p2 $0x4  }
0x48: {  	[hbm4b:s31+s1] =	stream.strided.scatter @!p1 [tilespmem:s25], [sflag:$0x4], $0x4000, s0, s1, $0x38;
	[tilespmem:$0x1E000] =	vst v63  }
0x49: {  	s1 =	sadd.s32 $0x100, s26;
	p1 =	sgt.u32 s30, $0x4E1;
	_ =	swait.ge @!p2 [sflag:s3], $0x4000  }
0x4a: {  	s0 =	sadd.s32 @!p1 $0xFFFFFF80, s1;
	s18 =	simm.s32 @!p1 $0x1A000;
	[sflag:s3] =	ssyncset.done @!p2 $0x0  }
0x4b: {  	[sflag:s3] =	ssyncadd.s32 @!p2 $0xFFFFC000;
	s3 =	simm.s32 @!p1 $0x80;
	p2 =	sgt.u32 s16, $0x4E1  }
0x4c: {  	[tilespmem:s18], [sflag:$0x2] =	stream.indirect.gather @!p1 [spmem:s2], $0x80, s0, s3, $0xb8;
	[tilespmem:$0x1E000] =	vst v63  }
0x4d: {  	s0 =	simm.s32 @!p2 $0x1  }
0x4e: {  	s31 =	sadd.s32 $0x2, s16;
	_ =	swait.ge @!p2 [sflag:s0], $0x4000  }
0x4f: {  	s3 =	simm.s32 @!p2 $0x16000;
	s25 =	simm.s32 @!p2 $0x3;
	[sflag:s0] =	ssyncset.done @!p2 $0x0  }
0x50: {  	s26 =	simm.s32 @!p2 $0x800;
	[sflag:s0] =	ssyncadd.s32 @!p2 $0xFFFFC000;
	s0 =	simm.s32 @!p2 $0x400  }
0x51: {  	[hbm4b:s24+s0] =	stream.strided.scatter @!p2 [tilespmem:s3], [sflag:$0x3], $0x4000, s26, s0, $0x38;
	[tilespmem:$0x1E000] =	vst v63  }
0x52: {  	p3 =	sgt.u32 s31, $0x4E1;
	_ =	swait.ge @!p2 [sflag:s25], $0x4000  }
0x53: {  	s16 =	simm.s32 @!p3 $0x16000;
	[sflag:s25] =	ssyncset.done @!p2 $0x0  }
0x54: {  	s3 =	simm.s32 @!p1 $0x2;
	s0 =	simm.s32 @!p3 $0x80;
	[sflag:s25] =	ssyncadd.s32 @!p2 $0xFFFFC000  }
0x55: {  	[tilespmem:s16], [sflag:$0x1] =	stream.indirect.gather @!p3 [spmem:s2], $0x80, s1, s0, $0xb8;
	[tilespmem:$0x1E000] =	vst v63  }
0x56: {  	_ =	swait.ge @!p1 [sflag:s3], $0x4000  }
0x57: {  	[sflag:s3] =	ssyncset.done @!p1 $0x0  }
0x58: {  	s0 =	simm.s32 @!p1 $0x800;
	s1 =	simm.s32 @!p1 $0x400;
	[sflag:s3] =	ssyncadd.s32 @!p1 $0xFFFFC000  }
0x59: {  	[hbm4b:s23+s1] =	stream.strided.scatter @!p1 [tilespmem:s18], [sflag:$0x4], $0x4000, s0, s1, $0x38;
	[tilespmem:$0x1E000] =	vst v63  }
0x5a: {  	s0 =	simm.s32 @!p0 $0x4  }
0x5b: {  	_ =	swait.ge @!p0 [sflag:s0], $0x4000  }
0x5c: {  	[sflag:s0] =	ssyncset.done @!p0 $0x0  }
0x5d: {  	[sflag:s0] =	ssyncadd.s32 @!p0 $0xFFFFC000;
	s0 =	simm.s32 @!p0 $0x1  }
0x5e: {  	s22 =	sadd.s32 $0x1, s22;
	_ =	swait.ge @!p0 [sflag:s0], $0x4000  }
0x5f: {  	s3 =	simm.s32 @!p0 $0x16000;
	s1 =	simm.s32 @!p0 $0x800;
	[sflag:s0] =	ssyncset.done @!p0 $0x0  }
0x60: {  	p1 =	sne.s32 s22, s10;
	[sflag:s0] =	ssyncadd.s32 @!p0 $0xFFFFC000;
	s0 =	simm.s32 @!p0 $0x400  }
0x61: {  	[hbm4b:s11+s0] =	stream.strided.scatter @!p0 [tilespmem:s3], [sflag:$0x3], $0x4000, s1, s0, $0x38;
	[tilespmem:$0x1E000] =	vst v63  }
.Ltmp1:
0x62: {  	_ = 	snop;
	(pc) =	sbr.rel @p1 .LBB2_1-.Ltmp1, $4  }
0x63: {  	s0 =	simm.s32 @!p0 $0x3  }
0x64: {  	_ =	swait.ge @!p0 [sflag:s0], $0x4000  }
0x65: {  	[sflag:s0] =	ssyncset.done @!p0 $0x0  }
0x66: {  	[sflag:s0] =	ssyncadd.s32 @!p0 $0xFFFFC000  }
0x67: {  	_ =	sfence.sel $0x180000  }
0x68: {  	[bflag:$0x0] =	sbarrier.arrive $0xFFFF  }
0x69: {  	_ =	strace $0x90000047  }
0x6a: {  	s0 =	stileid.u32;
	[bflag:$0x2] =	sbarrier.arrive $0xFFFF  }
0x6b: {  	p0 =	sne.s32 s0, $0x0;
	s0 =	rddreg [dreg:$0x4]  }
0x6c: {  	s0 =	sadd.s32 @!p0 $0x100000, s0  }
0x6d: {  	[sflag:s0] =	ssyncadd.tile.s32 @!p0 $0x1;
	_ =	shalt  }
.Lfunc_end2:
_tile_overlayer_lowered:
.L_overlay_start_2:
0x6e: {  	(tag) =	ssettag $0x2  }
0x6f: {  	s0 =	rddreg [dreg:$0x0];
	s2 =	stileid.u32  }
0x70: {  	s1 =	rddreg [dreg:$0x1];
	p0 =	sne.s32 s2, $0x0  }
0x71: {  	s3 =	rddreg [dreg:$0x2];
	[bflag:$0x3] =	sbarrier.arrive $0xFFFF;
	s2 =	simm.s32 @!p0 $0x1C05  }
0x72: {  	[timem:s3], [sflag:s2] =	dma.local @!p0 [hbm:s0], s1  }
0x73: {  	s0 =	simm.s32 @!p0 $0x5  }
0x74: {  	_ =	swait.ge @!p0 [sflag:s0], s1  }
0x75: {  	s1 =	ssub.s32 @!p0 $0x0, s1;
	[sflag:s0] =	ssyncset.done @!p0 $0x0  }
0x76: {  	[sflag:s0] =	ssyncadd.s32 @!p0 s1  }
0x77: {  	[bflag:$0x3] =	sbarrier.arrive $0xFFFF  }
0x78: {  	_ =	shalt  }

</sc_bundles>
